<compile_context>
chip_gen: v7x
topology: tpu7x:2x2x1
jax: 0.10.2.dev20260603
libtpu: 0.0.44.dev20260713+nightly
codegen_flags: <defaults>
</compile_context>

<pallas_src>
import functools

import jax
import jax.numpy as jnp
from jax import lax
from jax.experimental import pallas as pl
from jax.experimental.pallas import tpu as pltpu
from jax.experimental.pallas import tpu_sc as plsc

N = 10000
E = 320000
D = 128
NUM_GRAPHS = 128

NTILES = 32
CHUNK = 128
CPT = 80
EPT = CHUNK * CPT
E_PAD = EPT * NTILES
N_PAD = 10240
RPT = N_PAD // 16

BLK = 512


def _mesh():
    return plsc.VectorSubcoreMesh(core_axis_name="c", subcore_axis_name="s")



def _deg_body(dst_hbm, zeros_hbm, ones_hbm, out_hbm, dst_v, ones_v, acc_sh):
    c = lax.axis_index("c")
    s = lax.axis_index("s")
    wid = c * 16 + s
    pltpu.sync_copy(zeros_hbm, acc_sh.at[pl.ds(s * RPT, RPT)])
    pltpu.sync_copy(dst_hbm.at[wid], dst_v)
    pltpu.sync_copy(ones_hbm, ones_v)
    plsc.subcore_barrier()

    def step(i, carry):
        pltpu.sync_copy(ones_v, acc_sh.at[dst_v.at[i]], add=True)
        return carry

    lax.fori_loop(0, CPT, step, 0)
    plsc.subcore_barrier()
    pltpu.sync_copy(acc_sh.at[pl.ds(s * RPT, RPT)],
                    out_hbm.at[c, pl.ds(s * RPT, RPT)])


@jax.jit
def _deg_call(dst_p, zeros128, ones128):
    return pl.kernel(
        _deg_body,
        out_type=jax.ShapeDtypeStruct((2, N_PAD, D), jnp.float32),
        mesh=_mesh(),
        scratch_types=[
            pltpu.VMEM((CPT, CHUNK), jnp.int32),
            pltpu.VMEM((CHUNK, D), jnp.float32),
            pltpu.VMEM_SHARED((N_PAD, D), jnp.float32),
        ],
    )(dst_p, zeros128, ones128)



N_ACC = 10112
RPA = N_ACC // 16
NB3 = CPT // 3 - 0


def _spmm_body(x_hbm, idx_hbm, zeros_hbm, out_hbm,
               i0, i1, i2b, r0, r1, r2, acc_sh,
               si0, si1, si2, sg0, sg1, sg2):
    c = lax.axis_index("c")
    s = lax.axis_index("s")
    wid = c * 16 + s
    pltpu.async_copy(idx_hbm.at[wid, pl.ds(0, 2)], i0, si0)
    pltpu.async_copy(idx_hbm.at[wid, pl.ds(2, 2)], i1, si1)
    pltpu.async_copy(idx_hbm.at[wid, pl.ds(4, 2)], i2b, si2)
    pltpu.sync_copy(zeros_hbm, acc_sh.at[pl.ds(s * RPA, RPA)])
    plsc.subcore_barrier()
    pltpu.make_async_copy(idx_hbm.at[wid, pl.ds(0, 2)], i0, si0).wait()
    pltpu.async_copy(x_hbm.at[i0.at[0]], r0, sg0)
    pltpu.make_async_copy(idx_hbm.at[wid, pl.ds(0, 2)], i1, si1).wait()
    pltpu.async_copy(x_hbm.at[i1.at[0]], r1, sg1)

    def step(i3, carry):
        i = 3 * i3
        pltpu.make_async_copy(idx_hbm.at[wid, pl.ds(0, 2)], i2b, si2).wait()
        pltpu.async_copy(x_hbm.at[i2b.at[0]], r2, sg2)

        pltpu.make_async_copy(x_hbm.at[i0.at[0]], r0, sg0).wait()
        pltpu.sync_copy(r0, acc_sh.at[i0.at[1]], add=True)
        pltpu.async_copy(idx_hbm.at[wid, pl.ds(2 * i + 6, 2)], i0, si0)
        pltpu.make_async_copy(idx_hbm.at[wid, pl.ds(0, 2)], i0, si0).wait()
        pltpu.async_copy(x_hbm.at[i0.at[0]], r0, sg0)

        pltpu.make_async_copy(x_hbm.at[i1.at[0]], r1, sg1).wait()
        pltpu.sync_copy(r1, acc_sh.at[i1.at[1]], add=True)
        pltpu.async_copy(idx_hbm.at[wid, pl.ds(2 * i + 8, 2)], i1, si1)
        pltpu.make_async_copy(idx_hbm.at[wid, pl.ds(0, 2)], i1, si1).wait()
        pltpu.async_copy(x_hbm.at[i1.at[0]], r1, sg1)

        pltpu.make_async_copy(x_hbm.at[i2b.at[0]], r2, sg2).wait()
        pltpu.sync_copy(r2, acc_sh.at[i2b.at[1]], add=True)

        @pl.when(i3 < NB3 - 1)
        def _():
            pltpu.async_copy(idx_hbm.at[wid, pl.ds(2 * i + 10, 2)], i2b, si2)

        return carry

    lax.fori_loop(0, NB3, step, 0)
    pltpu.make_async_copy(x_hbm.at[i0.at[0]], r0, sg0).wait()
    pltpu.sync_copy(r0, acc_sh.at[i0.at[1]], add=True)
    pltpu.make_async_copy(x_hbm.at[i1.at[0]], r1, sg1).wait()
    pltpu.sync_copy(r1, acc_sh.at[i1.at[1]], add=True)
    plsc.subcore_barrier()
    pltpu.sync_copy(acc_sh.at[pl.ds(s * RPA, RPA)],
                    out_hbm.at[c, pl.ds(s * RPA, RPA)])


@jax.jit
def _spmm_call(x_pad, idx_p, zeros_acc):
    return pl.kernel(
        _spmm_body,
        out_type=jax.ShapeDtypeStruct((2, N_ACC, D), jnp.float32),
        mesh=_mesh(),
        scratch_types=[
            pltpu.VMEM((2, CHUNK), jnp.int32),
            pltpu.VMEM((2, CHUNK), jnp.int32),
            pltpu.VMEM((2, CHUNK), jnp.int32),
            pltpu.VMEM((CHUNK, D), jnp.float32),
            pltpu.VMEM((CHUNK, D), jnp.float32),
            pltpu.VMEM((CHUNK, D), jnp.float32),
            pltpu.VMEM_SHARED((N_ACC, D), jnp.float32),
            pltpu.SemaphoreType.DMA,
            pltpu.SemaphoreType.DMA,
            pltpu.SemaphoreType.DMA,
            pltpu.SemaphoreType.DMA,
            pltpu.SemaphoreType.DMA,
            pltpu.SemaphoreType.DMA,
        ],
    )(x_pad, idx_p, zeros_acc)



def _dense1_body(x_ref, w_ref, deg_ref, xs_ref, dis_ref):
    deg = deg_ref[...]
    dis = jnp.where(deg > 0, lax.rsqrt(deg), 0.0)
    h = jnp.dot(x_ref[...], w_ref[...], preferred_element_type=jnp.float32)
    xs_ref[...] = h * dis[:, None]
    dis_ref[...] = dis


@jax.jit
def _dense1_call(x_pad, W1, deg_pad):
    return pl.pallas_call(
        _dense1_body,
        grid=(N_PAD // BLK,),
        in_specs=[
            pl.BlockSpec((BLK, D), lambda i: (i, 0)),
            pl.BlockSpec((D, D), lambda i: (0, 0)),
            pl.BlockSpec((BLK,), lambda i: (i,)),
        ],
        out_specs=[
            pl.BlockSpec((BLK, D), lambda i: (i, 0)),
            pl.BlockSpec((BLK,), lambda i: (i,)),
        ],
        out_shape=[
            jax.ShapeDtypeStruct((N_PAD, D), jnp.float32),
            jax.ShapeDtypeStruct((N_PAD,), jnp.float32),
        ],
    )(x_pad, W1, deg_pad)


def _mid_body(ya_ref, yb_ref, xp_ref, dis_ref, b_ref, w_ref, out_ref):
    dis = dis_ref[...]
    t = (ya_ref[...] + yb_ref[...] + xp_ref[...]) * dis[:, None] + b_ref[...]
    h = jnp.maximum(t, 0.0)
    out_ref[...] = jnp.dot(h, w_ref[...],
                           preferred_element_type=jnp.float32) * dis[:, None]


@jax.jit
def _mid_call(ya, yb, xp, dis, b2d, W):
    return pl.pallas_call(
        _mid_body,
        grid=(N_PAD // BLK,),
        in_specs=[
            pl.BlockSpec((BLK, D), lambda i: (i, 0)),
            pl.BlockSpec((BLK, D), lambda i: (i, 0)),
            pl.BlockSpec((BLK, D), lambda i: (i, 0)),
            pl.BlockSpec((BLK,), lambda i: (i,)),
            pl.BlockSpec((1, D), lambda i: (0, 0)),
            pl.BlockSpec((D, D), lambda i: (0, 0)),
        ],
        out_specs=pl.BlockSpec((BLK, D), lambda i: (i, 0)),
        out_shape=jax.ShapeDtypeStruct((N_PAD, D), jnp.float32),
    )(ya, yb, xp, dis, b2d, W)


def _final_body(ya_ref, yb_ref, xp_ref, dis_ref, b_ref, batch_ref,
                linw_ref, linb_ref, out_ref, sums, cnts):
    i = pl.program_id(0)

    @pl.when(i == 0)
    def _():
        sums[...] = jnp.zeros_like(sums)
        cnts[...] = jnp.zeros_like(cnts)

    dis = dis_ref[...]
    t = (ya_ref[...] + yb_ref[...] + xp_ref[...]) * dis[:, None] + b_ref[...]
    h = jnp.maximum(t, 0.0)
    bt = batch_ref[...]
    onehot = (lax.broadcasted_iota(jnp.int32, (BLK, NUM_GRAPHS), 1)
              == bt[:, None]).astype(jnp.float32)
    dn = (((0,), (0,)), ((), ()))
    sums[...] += lax.dot_general(onehot, h, dn,
                                 preferred_element_type=jnp.float32,
                                 precision=lax.Precision.HIGHEST)
    cnts[...] += lax.dot_general(onehot, jnp.ones((BLK, D), jnp.float32), dn,
                                 preferred_element_type=jnp.float32,
                                 precision=lax.Precision.HIGHEST)

    @pl.when(i == pl.num_programs(0) - 1)
    def _():
        pooled = sums[...] / jnp.maximum(cnts[...], 1.0)
        out_ref[...] = jnp.dot(pooled, linw_ref[...],
                               preferred_element_type=jnp.float32) + linb_ref[...]


@jax.jit
def _final_call(ya, yb, xp, dis, b2d, batch_pad, linw_pad, linb_pad):
    return pl.pallas_call(
        _final_body,
        grid=(N_PAD // BLK,),
        in_specs=[
            pl.BlockSpec((BLK, D), lambda i: (i, 0)),
            pl.BlockSpec((BLK, D), lambda i: (i, 0)),
            pl.BlockSpec((BLK, D), lambda i: (i, 0)),
            pl.BlockSpec((BLK,), lambda i: (i,)),
            pl.BlockSpec((1, D), lambda i: (0, 0)),
            pl.BlockSpec((BLK,), lambda i: (i,)),
            pl.BlockSpec((D, D), lambda i: (0, 0)),
            pl.BlockSpec((1, D), lambda i: (0, 0)),
        ],
        out_specs=pl.BlockSpec((NUM_GRAPHS, D), lambda i: (0, 0)),
        out_shape=jax.ShapeDtypeStruct((NUM_GRAPHS, D), jnp.float32),
        scratch_shapes=[
            pltpu.VMEM((NUM_GRAPHS, D), jnp.float32),
            pltpu.VMEM((NUM_GRAPHS, D), jnp.float32),
        ],
    )(ya, yb, xp, dis, b2d, batch_pad, linw_pad, linb_pad)



def kernel(x, edge_index, batch, W1, b1, W2, b2, W3, b3, lin_W, lin_b):
    src = edge_index[0]
    dst = edge_index[1]
    pad_e = E_PAD - E
    src_p = jnp.concatenate(
        [src, jnp.zeros((pad_e,), jnp.int32)]).reshape(NTILES, CPT, CHUNK)
    dst_p = jnp.concatenate(
        [dst, jnp.full((pad_e,), N, jnp.int32)]).reshape(NTILES, CPT, CHUNK)
    idx_p = jnp.stack([src_p, dst_p], axis=2).reshape(NTILES, 2 * CPT, CHUNK)
    zeros128 = jnp.zeros((RPT, D), jnp.float32)
    zeros_acc = jnp.zeros((RPA, D), jnp.float32)
    ones128 = jnp.ones((CHUNK, D), jnp.float32)

    degp = _deg_call(dst_p, zeros128, ones128)
    deg = degp[0, :N, 0] + degp[1, :N, 0] + 1.0
    deg_pad = jnp.concatenate([deg, jnp.zeros((N_PAD - N,), jnp.float32)])
    x_pad = jnp.concatenate(
        [x, jnp.zeros((N_PAD - N, D), jnp.float32)], axis=0)

    def pad_y(y):
        return jnp.pad(y, ((0, 0), (0, N_PAD - N_ACC), (0, 0)))

    x1, dis = _dense1_call(x_pad, W1, deg_pad)
    y1 = pad_y(_spmm_call(x1, idx_p, zeros_acc))
    x2 = _mid_call(y1[0], y1[1], x1, dis, b1.reshape(1, D), W2)
    y2 = pad_y(_spmm_call(x2, idx_p, zeros_acc))
    x3 = _mid_call(y2[0], y2[1], x2, dis, b2.reshape(1, D), W3)
    y3 = pad_y(_spmm_call(x3, idx_p, zeros_acc))

    batch_pad = jnp.concatenate(
        [batch, jnp.full((N_PAD - N,), NUM_GRAPHS + 7, jnp.int32)])
    linw_pad = jnp.pad(lin_W, ((0, 0), (0, D - lin_W.shape[1])))
    linb_pad = jnp.pad(lin_b, (0, D - lin_b.shape[0])).reshape(1, D)
    outf = _final_call(y3[0], y3[1], x3, dis, b3.reshape(1, D),
                       batch_pad, linw_pad, linb_pad)
    return outf[:, :1]

# --- scband reference (transcript-rebuilt; emitter-appended) ---
"""Pipeline reference for scband-gcn-36223754174562 (READ-ONLY COPY).

The authoritative reference and input builder live on the scoring server;
editing this copy changes nothing except your own understanding.
"""

import jax, jax.numpy as jnp
import numpy as np

N = 10000
E = 320000
D = 128
H = 128
OUT = 1
NUM_GRAPHS = 128


def _gcn_conv(x, src, dst, W, b, n):
    # PyG GCNConv semantics: x' = D^{-1/2} (A + I) D^{-1/2} (x W) + b
    # (self-loops already concatenated into src/dst by caller)
    h = x @ W
    ones = jnp.ones(src.shape[0], dtype=h.dtype)
    deg = jax.ops.segment_sum(ones, dst, num_segments=n)
    deg_inv_sqrt = jnp.where(deg > 0, deg ** -0.5, 0.0)
    norm = deg_inv_sqrt[src] * deg_inv_sqrt[dst]
    msg = h[src] * norm[:, None]
    out = jax.ops.segment_sum(msg, dst, num_segments=n)
    return out + b


def setup_inputs(seed: int = 0) -> dict:
    key = jax.random.key(seed)
    ks = jax.random.split(key, 16)
    x = jax.random.normal(ks[0], (N, D), dtype=jnp.float32)
    edge_index = jax.random.randint(ks[1], (2, E), 0, N, dtype=jnp.int32)
    batch = jnp.sort(jax.random.randint(ks[2], (N,), 0, NUM_GRAPHS, dtype=jnp.int32))
    W1 = jax.random.normal(ks[3], (D, H), dtype=jnp.float32) * 0.05
    b1 = jnp.zeros((H,), dtype=jnp.float32)
    W2 = jax.random.normal(ks[4], (H, H), dtype=jnp.float32) * 0.05
    b2 = jnp.zeros((H,), dtype=jnp.float32)
    W3 = jax.random.normal(ks[5], (H, H), dtype=jnp.float32) * 0.05
    b3 = jnp.zeros((H,), dtype=jnp.float32)
    lin_W = jax.random.normal(ks[6], (H, OUT), dtype=jnp.float32) * 0.05
    lin_b = jnp.zeros((OUT,), dtype=jnp.float32)
    return {"x": x, "edge_index": edge_index, "batch": batch,
            "W1": W1, "b1": b1, "W2": W2, "b2": b2, "W3": W3, "b3": b3,
            "lin_W": lin_W, "lin_b": lin_b}


def reference(x, edge_index, batch, W1, b1, W2, b2, W3, b3, lin_W, lin_b):
    n = x.shape[0]
    loops = jnp.arange(n, dtype=edge_index.dtype)
    src = jnp.concatenate([edge_index[0], loops])
    dst = jnp.concatenate([edge_index[1], loops])
    h = jax.nn.relu(_gcn_conv(x, src, dst, W1, b1, n))
    # dropout p=0.0 / eval mode -> identity
    h = jax.nn.relu(_gcn_conv(h, src, dst, W2, b2, n))
    h = jax.nn.relu(_gcn_conv(h, src, dst, W3, b3, n))
    # global_mean_pool over batch assignment
    sums = jax.ops.segment_sum(h, batch, num_segments=NUM_GRAPHS)
    cnt = jax.ops.segment_sum(jnp.ones((n,), dtype=h.dtype), batch, num_segments=NUM_GRAPHS)
    pooled = sums / jnp.maximum(cnt, 1.0)[:, None]
    return pooled @ lin_W + lin_b

if __name__ == "__main__":
    import jax
    _d = setup_inputs()
    print(jax.jit(kernel)(*tuple(_d.values())))

</pallas_src>

<mosaic_0001>
#map = affine_map<(d0, d1) -> (0, 0, 0)>
#map1 = affine_map<(d0, d1) -> (0, 0)>
module attributes {stable_mosaic.version = 14 : i64} {
  func.func @_deg_body(%arg0: i32, %arg1: i32, %arg2: memref<32x80x128xi32, #tpu.memory_space<hbm>>, %arg3: memref<640x128xf32, #tpu.memory_space<hbm>>, %arg4: memref<128x128xf32, #tpu.memory_space<hbm>>, %arg5: memref<2x10240x128xf32, #tpu.memory_space<hbm>>, %arg6: memref<80x128xi32, #tpu.memory_space<vmem>>, %arg7: memref<128x128xf32, #tpu.memory_space<vmem>>, %arg8: memref<10240x128xf32, #tpu.memory_space<vmem_shared>>) attributes {dimension_semantics = [#tpu.dimension_semantics<core_parallel>, #tpu.dimension_semantics<subcore_parallel>], iteration_bounds = array<i64: 2, 16>, scalar_prefetch = 0 : i64, scratch_operands = 3 : i64, tpu.core_type = #tpu.core_type<sc_vector_subcore>, window_params = [{transform_indices = #map}, {transform_indices = #map1}, {transform_indices = #map1}, {transform_indices = #map}]} {
    %mul3A = arith.constant 16 : i32
    %mul3A_0 = arith.muli %arg0, %mul3A : i32
    %add3A = arith.addi %mul3A_0, %arg1 : i32
    %mul3A_1 = arith.constant 640 : i32
    %mul3A_2 = arith.muli %arg1, %mul3A_1 : i32
    "tpu.region"() ({
      %run_scoped3A = tpu.sem_alloc : memref<!tpu.dma_semaphore, #tpu.memory_space<semaphore_mem>>
      %dma_start3A = arith.constant 0 : i32
      %dma_start3A_13 = tpu.memref_slice %arg8[%mul3A_2, %dma_start3A] : memref<10240x128xf32, #tpu.memory_space<vmem_shared>> -> memref<640x128xf32, #tpu.memory_space<vmem_shared>>
      tpu.enqueue_dma source(%arg3 : memref<640x128xf32, #tpu.memory_space<hbm>>) target(%dma_start3A_13 : memref<640x128xf32, #tpu.memory_space<vmem_shared>>) target_semaphore(%run_scoped3A : memref<!tpu.dma_semaphore, #tpu.memory_space<semaphore_mem>>)
      %dma_wait3A = arith.constant 0 : i32
      %dma_wait3A_14 = tpu.memref_slice %arg8[%mul3A_2, %dma_wait3A] : memref<10240x128xf32, #tpu.memory_space<vmem_shared>> -> memref<640x128xf32, #tpu.memory_space<vmem_shared>>
      tpu.wait_dma2 semaphore(%run_scoped3A : memref<!tpu.dma_semaphore, #tpu.memory_space<semaphore_mem>>) src(%arg3 : memref<640x128xf32, #tpu.memory_space<hbm>>) dst(%dma_wait3A_14 : memref<640x128xf32, #tpu.memory_space<vmem_shared>>)
      tpu.yield
    }) : () -> ()
    "tpu.region"() ({
      %run_scoped3A = tpu.sem_alloc : memref<!tpu.dma_semaphore, #tpu.memory_space<semaphore_mem>>
      %dma_start3A = arith.constant 0 : i32
      %dma_start3A_13 = arith.constant 0 : i32
      %dma_start3A_14 = tpu.memref_slice %arg2[%add3A, %dma_start3A, %dma_start3A_13] : memref<32x80x128xi32, #tpu.memory_space<hbm>> -> memref<1x80x128xi32, #tpu.memory_space<hbm>>
      %dma_start3A_15 = tpu.memref_squeeze %dma_start3A_14 : memref<1x80x128xi32, #tpu.memory_space<hbm>> -> memref<80x128xi32, #tpu.memory_space<hbm>>
      %dma_start3A_16 = arith.constant 0 : i32
      %dma_start3A_17 = arith.constant 0 : i32
      %dma_start3A_18 = tpu.memref_slice %arg2[%add3A, %dma_start3A_16, %dma_start3A_17] : memref<32x80x128xi32, #tpu.memory_space<hbm>> -> memref<1x80x128xi32, #tpu.memory_space<hbm>>
      %dma_start3A_19 = tpu.memref_squeeze %dma_start3A_18 : memref<1x80x128xi32, #tpu.memory_space<hbm>> -> memref<80x128xi32, #tpu.memory_space<hbm>>
      tpu.enqueue_dma source(%dma_start3A_19 : memref<80x128xi32, #tpu.memory_space<hbm>>) target(%arg6 : memref<80x128xi32, #tpu.memory_space<vmem>>) target_semaphore(%run_scoped3A : memref<!tpu.dma_semaphore, #tpu.memory_space<semaphore_mem>>)
      %dma_wait3A = arith.constant 0 : i32
      %dma_wait3A_20 = arith.constant 0 : i32
      %dma_wait3A_21 = tpu.memref_slice %arg2[%add3A, %dma_wait3A, %dma_wait3A_20] : memref<32x80x128xi32, #tpu.memory_space<hbm>> -> memref<1x80x128xi32, #tpu.memory_space<hbm>>
      %dma_wait3A_22 = tpu.memref_squeeze %dma_wait3A_21 : memref<1x80x128xi32, #tpu.memory_space<hbm>> -> memref<80x128xi32, #tpu.memory_space<hbm>>
      %dma_wait3A_23 = arith.constant 0 : i32
      %dma_wait3A_24 = arith.constant 0 : i32
      %dma_wait3A_25 = tpu.memref_slice %arg2[%add3A, %dma_wait3A_23, %dma_wait3A_24] : memref<32x80x128xi32, #tpu.memory_space<hbm>> -> memref<1x80x128xi32, #tpu.memory_space<hbm>>
      %dma_wait3A_26 = tpu.memref_squeeze %dma_wait3A_25 : memref<1x80x128xi32, #tpu.memory_space<hbm>> -> memref<80x128xi32, #tpu.memory_space<hbm>>
      tpu.wait_dma2 semaphore(%run_scoped3A : memref<!tpu.dma_semaphore, #tpu.memory_space<semaphore_mem>>) src(%dma_wait3A_26 : memref<80x128xi32, #tpu.memory_space<hbm>>) dst(%arg6 : memref<80x128xi32, #tpu.memory_space<vmem>>)
      tpu.yield
    }) : () -> ()
    "tpu.region"() ({
      %run_scoped3A = tpu.sem_alloc : memref<!tpu.dma_semaphore, #tpu.memory_space<semaphore_mem>>
      tpu.enqueue_dma source(%arg4 : memref<128x128xf32, #tpu.memory_space<hbm>>) target(%arg7 : memref<128x128xf32, #tpu.memory_space<vmem>>) target_semaphore(%run_scoped3A : memref<!tpu.dma_semaphore, #tpu.memory_space<semaphore_mem>>)
      tpu.wait_dma2 semaphore(%run_scoped3A : memref<!tpu.dma_semaphore, #tpu.memory_space<semaphore_mem>>) src(%arg4 : memref<128x128xf32, #tpu.memory_space<hbm>>) dst(%arg7 : memref<128x128xf32, #tpu.memory_space<vmem>>)
      tpu.yield
    }) : () -> ()
    %barrier3A = arith.constant 0 : index
    tpu.barrier barrier_id(%barrier3A)
    %scan3A = arith.constant 0 : i32
    %scan3A_3 = arith.constant 0 : i32
    %scan3A_4 = arith.constant 80 : i32
    %scan3A_5 = arith.addi %scan3A_3, %scan3A_4 : i32
    %scan3A_6 = arith.constant 1 : i32
    scf.for %scan3A_13 = %scan3A_3 to %scan3A_5 step %scan3A_6  : i32 {
      "tpu.region"() ({
        %run_scoped3A = tpu.sem_alloc : memref<!tpu.dma_semaphore, #tpu.memory_space<semaphore_mem>>
        %dma_start3A = arith.constant 0 : i32
        %dma_start3A_14 = tpu.memref_slice %arg6[%scan3A_13, %dma_start3A] : memref<80x128xi32, #tpu.memory_space<vmem>> -> memref<1x128xi32, #tpu.memory_space<vmem>>
        %dma_start3A_15 = tpu.memref_squeeze %dma_start3A_14 : memref<1x128xi32, #tpu.memory_space<vmem>> -> memref<128xi32, #tpu.memory_space<vmem>>
        %dma_start3A_16 = arith.constant 0 : i32
        %dma_start3A_17 = arith.constant 0 : i32
        %dma_start3A_18 = tpu.memref_slice %arg8[%dma_start3A_16, %dma_start3A_17] : memref<10240x128xf32, #tpu.memory_space<vmem_shared>> -> memref<10240x128xf32, #tpu.memory_space<vmem_shared>>
        tpu.enqueue_indirect_dma source(%arg7 : memref<128x128xf32, #tpu.memory_space<vmem>>) target(%dma_start3A_18 : memref<10240x128xf32, #tpu.memory_space<vmem_shared>>) offsets(%dma_start3A_15 : memref<128xi32, #tpu.memory_space<vmem>>) semaphore(%run_scoped3A : memref<!tpu.dma_semaphore, #tpu.memory_space<semaphore_mem>>) {add = true}
        %dma_wait3A = arith.constant 0 : i32
        %dma_wait3A_19 = tpu.memref_slice %arg6[%scan3A_13, %dma_wait3A] : memref<80x128xi32, #tpu.memory_space<vmem>> -> memref<1x128xi32, #tpu.memory_space<vmem>>
        %dma_wait3A_20 = tpu.memref_squeeze %dma_wait3A_19 : memref<1x128xi32, #tpu.memory_space<vmem>> -> memref<128xi32, #tpu.memory_space<vmem>>
        %dma_wait3A_21 = arith.constant 0 : i32
        %dma_wait3A_22 = arith.constant 0 : i32
        %dma_wait3A_23 = tpu.memref_slice %arg8[%dma_wait3A_21, %dma_wait3A_22] : memref<10240x128xf32, #tpu.memory_space<vmem_shared>> -> memref<10240x128xf32, #tpu.memory_space<vmem_shared>>
        tpu.wait_indirect_dma semaphore(%run_scoped3A : memref<!tpu.dma_semaphore, #tpu.memory_space<semaphore_mem>>) src(%arg7 : memref<128x128xf32, #tpu.memory_space<vmem>>) dst(%dma_wait3A_23 : memref<10240x128xf32, #tpu.memory_space<vmem_shared>>)
        tpu.yield
      }) : () -> ()
    }
    %scan3A_7 = arith.constant 80 : i32
    %barrier3A_8 = arith.constant 0 : index
    tpu.barrier barrier_id(%barrier3A_8)
    %mul3A_9 = arith.constant 640 : i32
    %mul3A_10 = arith.muli %arg1, %mul3A_9 : i32
    %mul3A_11 = arith.constant 640 : i32
    %mul3A_12 = arith.muli %arg1, %mul3A_11 : i32
    "tpu.region"() ({
      %run_scoped3A = tpu.sem_alloc : memref<!tpu.dma_semaphore, #tpu.memory_space<semaphore_mem>>
      %dma_start3A = arith.constant 0 : i32
      %dma_start3A_13 = tpu.memref_slice %arg5[%arg0, %mul3A_12, %dma_start3A] : memref<2x10240x128xf32, #tpu.memory_space<hbm>> -> memref<1x640x128xf32, #tpu.memory_space<hbm>>
      %dma_start3A_14 = tpu.memref_squeeze %dma_start3A_13 : memref<1x640x128xf32, #tpu.memory_space<hbm>> -> memref<640x128xf32, #tpu.memory_space<hbm>>
      %dma_start3A_15 = arith.constant 0 : i32
      %dma_start3A_16 = tpu.memref_slice %arg8[%mul3A_10, %dma_start3A_15] : memref<10240x128xf32, #tpu.memory_space<vmem_shared>> -> memref<640x128xf32, #tpu.memory_space<vmem_shared>>
      tpu.enqueue_dma source(%dma_start3A_16 : memref<640x128xf32, #tpu.memory_space<vmem_shared>>) target(%dma_start3A_14 : memref<640x128xf32, #tpu.memory_space<hbm>>) target_semaphore(%run_scoped3A : memref<!tpu.dma_semaphore, #tpu.memory_space<semaphore_mem>>)
      %dma_wait3A = arith.constant 0 : i32
      %dma_wait3A_17 = tpu.memref_slice %arg5[%arg0, %mul3A_12, %dma_wait3A] : memref<2x10240x128xf32, #tpu.memory_space<hbm>> -> memref<1x640x128xf32, #tpu.memory_space<hbm>>
      %dma_wait3A_18 = tpu.memref_squeeze %dma_wait3A_17 : memref<1x640x128xf32, #tpu.memory_space<hbm>> -> memref<640x128xf32, #tpu.memory_space<hbm>>
      %dma_wait3A_19 = arith.constant 0 : i32
      %dma_wait3A_20 = tpu.memref_slice %arg8[%mul3A_10, %dma_wait3A_19] : memref<10240x128xf32, #tpu.memory_space<vmem_shared>> -> memref<640x128xf32, #tpu.memory_space<vmem_shared>>
      tpu.wait_dma2 semaphore(%run_scoped3A : memref<!tpu.dma_semaphore, #tpu.memory_space<semaphore_mem>>) src(%dma_wait3A_20 : memref<640x128xf32, #tpu.memory_space<vmem_shared>>) dst(%dma_wait3A_18 : memref<640x128xf32, #tpu.memory_space<hbm>>)
      tpu.yield
    }) : () -> ()
    return
  }
}

</mosaic_0001>

<sc_bundles>
// kernel: _deg_call.3.cloned.1.call-start
scs
__scs_entry_jumppad:
0x0: {  	(pc) =	sbr.rel $0x88, $3  }
0x1: {  	(tag) =	ssettag $0x0;
	lr =	simm.s32 $0x1  }
0x2: {  	[smem:$0x3F9E] =	sst lr;
	_ =	strace $0xD0000000  }
0x3: {  	_ = 	snop  }
0x4: {  	_ = 	snop  }
0x5: {  	_ = 	snop  }
0x6: {  	_ = 	snop  }
0x7: {  	_ = 	snop  }
__scs_overlays_trampoline_lowered:
0x8: {  	[smem:$0x3FAD] =	sst s0  }
0x9: {  	[smem:$0x3FAE] =	sst s1  }
0xa: {  	[smem:$0x3FAF] =	sst s2  }
0xb: {  	[smem:$0x3FB0] =	sst s3  }
0xc: {  	[smem:$0x3FB1] =	sst s4  }
0xd: {  	[smem:$0x3FB2] =	sst s5  }
0xe: {  	[smem:$0x3FB3] =	sst s6  }
0xf: {  	[smem:$0x3FB4] =	sst s7  }
0x10: {  	[smem:$0x3FB5] =	sst s8  }
0x11: {  	[smem:$0x3FB6] =	sst s9;
	s0 =	simm.s32 @!p0 $0x0  }
0x12: {  	s1 =	sld [smem:$0x3F9C];
	s0 =	simm.s32 @p0 $0x1  }
0x13: {  	[smem:$0x3FB7] =	sst s0;
	s0 =	simm.s32 @!p1 $0x0  }
0x14: {  	s2 =	sld [smem:$0x3F9B];
	s0 =	simm.s32 @p1 $0x1  }
0x15: {  	[smem:$0x3FB8] =	sst s0;
	s0 =	simm.s32 @!p2 $0x0  }
0x16: {  	s3 =	sld [smem:$0x3FDB];
	s0 =	simm.s32 @p2 $0x1  }
0x17: {  	s4 =	simm.s32 $0x1BF5;
	[smem:$0x3FBA] =	sst s0  }
0x18: {  	s0 =	sld [smem:$0x3F9D];
	_ =	swait.ge [sflag:s4], $0x0  }
0x19: {  	s7 =	sld [smem:$0x3F9E]  }
0x1a: {  	s8 =	sadd.s32 $0xFFFFE003, lr  }
0x1b: {  	s9 =	sadd.s32 $0xFFFFFEF7, lr;
	s5 =	simm.s32 $0xFFFFFFFF;
	p2 =	slt.u32 s8, $0xFFFFF086  }
0x1c: {  	p1 =	slt.u32 s9, $0xF7A;
	s5 =	simm.s32 @!p2 $0x0  }
0x1d: {  	s5 =	simm.s32 @p1 $0x1;
	p0 =	seq.s32 s7, s2  }
0x1e: {  	s7 =	smul.u32 @!p0 $0xF7A, s2;
	p2 =	seq.s32 @!p0 s5, $0x0  }
0x1f: {  	s9 =	smul.u32 $0xF7A, s1;
	s8 =	simm.s32 @!p0 $0x1BF5;
	p2 =	por !p2, p0  }
0x20: {  	[sflag:s8] =	ssyncset.s32 @!p0 $0xFFFFF086;
	s6 =	sadd.s32 @!p0 s3, s7;
	s7 =	simm.s32 @!p0 $0x108  }
0x21: {  	s3 =	sadd.s32 s3, s9;
	s6 =	sadd.s32 @!p0 $0x88, s6;
	s7 =	simm.s32 @p2 $0x1082  }
0x22: {  	[simem:s7], [sflag:s8] =	dma.local @!p0 [hbm:s6], $0xF7A  }
0x23: {  	s9 =	sor.u32 $0xD0000000, s2;
	s6 =	simm.s32 $0x108;
	_ =	swait.ge @!p0 [sflag:s8], $0x0  }
0x24: {  	s3 =	sadd.s32 $0x88, s3;
	s6 =	simm.s32 @!p1 $0x1082;
	[sflag:s4] =	ssyncset.s32 $0xFFFFF086  }
0x25: {  	[simem:s6], [sflag:s4] =	dma.local [hbm:s3], $0xF7A  }
0x26: {  	[smem:$0x3F9E] =	sst s1;
	(tag) =	ssettag s2;
	_ =	strace s9  }
0x27: {  	s1 =	sld [smem:$0x3FAE]  }
0x28: {  	s2 =	sld [smem:$0x3FAF]  }
0x29: {  	s4 =	sld [smem:$0x3FB1]  }
0x2a: {  	p0 =	seq.s32 s5, $0x0;
	s5 =	sld [smem:$0x3FB2]  }
0x2b: {  	s6 =	sld [smem:$0x3FB3]  }
0x2c: {  	s7 =	sld [smem:$0x3FB4]  }
0x2d: {  	s3 =	simm.s32 $0x108;
	s8 =	sld [smem:$0x3FB5]  }
0x2e: {  	s3 =	simm.s32 @!p0 $0x1082;
	s9 =	sld [smem:$0x3FB6]  }
0x2f: {  	lr =	sadd.s32 s0, s3;
	s0 =	sld [smem:$0x3FAD]  }
0x30: {  	s3 =	sld [smem:$0x3FB0]  }
0x31: {  	[smem:$0x3FB9] =	sst s10  }
0x32: {  	s10 =	sld [smem:$0x3FB7];
	_ =	sdelay $0x3  }
0x33: {  	p0 =	seq.s32 s10, $0x1;
	s10 =	sld [smem:$0x3FB9];
	_ =	sdelay $0x3  }
0x34: {  	[smem:$0x3FB9] =	sst s10  }
0x35: {  	s10 =	sld [smem:$0x3FB8];
	_ =	sdelay $0x3  }
0x36: {  	p1 =	seq.s32 s10, $0x1;
	s10 =	sld [smem:$0x3FB9];
	_ =	sdelay $0x3  }
0x37: {  	[smem:$0x3FB9] =	sst s10  }
0x38: {  	s10 =	sld [smem:$0x3FBA]  }
0x39: {  	_ = 	snop;
	(pc) =	sbr.ind lr, $3  }
0x3a: {  	_ = 	snop  }
0x3b: {  	_ = 	snop  }
0x3c: {  	p2 =	seq.s32 s10, $0x1;
	s10 =	sld [smem:$0x3FB9]  }
0x3d: {  	_ =	shalt  }
0x3e: {  	_ =	shalt  }
0x3f: {  	_ =	shalt  }
0x40: {  	_ =	shalt  }
0x41: {  	_ =	shalt  }
0x42: {  	_ =	shalt  }
0x43: {  	_ =	shalt  }
0x44: {  	_ =	shalt  }
0x45: {  	_ =	shalt  }
0x46: {  	_ =	shalt  }
0x47: {  	_ =	shalt  }
0x48: {  	_ =	shalt  }
0x49: {  	_ =	shalt  }
0x4a: {  	_ =	shalt  }
0x4b: {  	_ =	shalt  }
0x4c: {  	_ =	shalt  }
0x4d: {  	_ =	shalt  }
0x4e: {  	_ =	shalt  }
0x4f: {  	_ =	shalt  }
0x50: {  	_ =	shalt  }
0x51: {  	_ =	shalt  }
0x52: {  	_ =	shalt  }
0x53: {  	_ =	shalt  }
0x54: {  	_ =	shalt  }
0x55: {  	_ =	shalt  }
0x56: {  	_ =	shalt  }
0x57: {  	_ =	shalt  }
0x58: {  	_ =	shalt  }
0x59: {  	_ =	shalt  }
0x5a: {  	_ =	shalt  }
0x5b: {  	_ =	shalt  }
0x5c: {  	_ =	shalt  }
0x5d: {  	_ =	shalt  }
0x5e: {  	_ =	shalt  }
0x5f: {  	_ =	shalt  }
0x60: {  	_ =	shalt  }
0x61: {  	_ =	shalt  }
0x62: {  	_ =	shalt  }
0x63: {  	_ =	shalt  }
0x64: {  	_ =	shalt  }
0x65: {  	_ =	shalt  }
0x66: {  	_ =	shalt  }
0x67: {  	_ =	shalt  }
0x68: {  	_ =	shalt  }
0x69: {  	_ =	shalt  }
0x6a: {  	_ =	shalt  }
0x6b: {  	_ =	shalt  }
0x6c: {  	_ =	shalt  }
0x6d: {  	_ =	shalt  }
0x6e: {  	_ =	shalt  }
0x6f: {  	_ =	shalt  }
0x70: {  	_ =	shalt  }
0x71: {  	_ =	shalt  }
0x72: {  	_ =	shalt  }
0x73: {  	_ =	shalt  }
0x74: {  	_ =	shalt  }
0x75: {  	_ =	shalt  }
0x76: {  	_ =	shalt  }
0x77: {  	_ =	shalt  }
0x78: {  	_ =	shalt  }
0x79: {  	_ =	shalt  }
0x7a: {  	_ =	shalt  }
0x7b: {  	_ =	shalt  }
0x7c: {  	_ =	shalt  }
0x7d: {  	_ =	shalt  }
0x7e: {  	_ =	shalt  }
0x7f: {  	_ =	shalt  }
0x80: {  	_ =	shalt  }
0x81: {  	_ =	shalt  }
0x82: {  	_ =	shalt  }
0x83: {  	_ =	shalt  }
0x84: {  	_ =	shalt  }
0x85: {  	_ =	shalt  }
0x86: {  	_ =	shalt  }
0x87: {  	_ =	shalt  }
.Lfunc_end0:
.L_simem_size_0:
called_computation_lowered:
.L_overlay_start_0:
0x88: {  	s2 =	sld [smem:$0x3FD9]  }
0x89: {  	s3 =	sld [smem:$0x3FFE];
	_ =	sdelay $0x1  }
0x8a: {  	s1 =	srdreg.scid  }
0x8b: {  	s0 =	sand.u32 $0x1, s1  }
0x8c: {  	s18 =	sshll.u32 s0, $0xA;
	s2 =	sadd.s32 s3, s2  }
0x8d: {  	s2 =	sadd.s32 s2, s18  }
0x8e: {  	[smem:$0x3FC5] =	sst s2  }
0x8f: {  	_ = 	snop  }
0x90: {  	s2 =	sld [smem:$0x3FC9]  }
0x91: {  	s19 =	sld [smem:$0x3FC8]  }
0x92: {  	s4 =	sld [smem:$0x3FC7]  }
0x93: {  	s5 =	sld [smem:$0x3FD0];
	(tm) =	ssettm $0x1  }
0x94: {  	s6 =	sld [smem:$0x3FFB];
	_ =	sdelay $0x3  }
0x95: {  	_ =	strace s6  }
0x96: {  	s6 =	sld [smem:$0x3FFC];
	_ =	sdelay $0x3  }
0x97: {  	_ =	strace s6  }
0x98: {  	s6 =	sld [smem:$0x3FFD];
	_ =	sdelay $0x3  }
0x99: {  	_ =	strace s6  }
0x9a: {  	_ =	strace $0x8FFFFFFF  }
0x9b: {  	s20 =	sld [smem:$0x3FDB];
	_ =	sdelay $0x1  }
0x9c: {  	s7 =	simm.s32 $_scs_section_size  }
0x9d: {  	s8 =	simm.s32 $_size__tile_overlayer_lowered;
	s9 =	simm.s32 $_tile_overlayer_lowered  }
0x9e: {  	s23 =	simm.s32 $0x1BFF;
	s22 =	sshll.u32 s9, $0x1;
	s6 =	sadd.s32 s7, s20  }
0x9f: {  	s10 =	simm.s32 $0x0;
	s21 =	sshll.u32 s8, $0x1;
	s8 =	sadd.s32 s22, s6  }
0xa0: {  	[timem:s10], [sflag:s23] =	dma.local [hbm:s8], s21  }
0xa1: {  	_ =	swait.ge [sflag:s23], s21  }
0xa2: {  	s7 =	ssub.s32 $0x0, s21;
	[sflag:s23] =	ssyncset.done $0x0  }
0xa3: {  	[sflag:s23] =	ssyncadd.s32 s7;
	_ =	sdelay $0x1  }
0xa4: {  	s24 =	simm.s32 $0x1B8B  }
0xa5: {  	_ =	swait.ge [sflag:s24], $0x1  }
0xa6: {  	[sflag:s24] =	ssyncset.done $0x0  }
0xa7: {  	s25 =	simm.s32 $0x1B8E;
	[sflag:s24] =	ssyncadd.s32 $0xFFFFFFFF  }
0xa8: {  	s26 =	simm.s32 $execute0_lowered;
	[smem:$0x3FD2] =	sst s25  }
0xa9: {  	s7 =	sshll.u32 s26, $0x1;
	_ =	strace $0x80000046;
	[dreg:$0x1] =	wrdreg $0xFFFFFFFF  }
0xaa: {  	s28 =	simm.s32 $_size_execute0_lowered;
	s6 =	sadd.s32 s6, s7;
	[dreg:$0x0] =	wrdreg $0x0  }
0xab: {  	s7 =	sshll.u32 s28, $0x1;
	[dreg:$0x2] =	wrdreg s6  }
0xac: {  	[dreg:$0x3] =	wrdreg s7  }
0xad: {  	[dreg:$0x4] =	wrdreg $0xC0  }
0xae: {  	_ =	task [dreg:s10], $0x5FFFF  }
0xaf: {  	[dreg:$0x1] =	wrdreg $0xFFFFFFFF  }
0xb0: {  	[dreg:$0x0] =	wrdreg $0x60  }
0xb1: {  	[dreg:$0x2] =	wrdreg s2  }
0xb2: {  	[dreg:$0x3] =	wrdreg s19  }
0xb3: {  	[dreg:$0x4] =	wrdreg s4  }
0xb4: {  	[dreg:$0x5] =	wrdreg s5  }
0xb5: {  	[dreg:$0x6] =	wrdreg $0x68000  }
0xb6: {  	[dreg:$0x7] =	wrdreg $0x9  }
0xb7: {  	_ =	task.clear_ibuf [dreg:s10], $0x8FFFF;
	_ =	strace $0x90000046  }
0xb8: {  	s29 =	simm.s32 $0x9;
	_ =	strace $0x80000048  }
0xb9: {  	_ =	swait.ge [sflag:s29], $0x1  }
0xba: {  	[sflag:s29] =	ssyncadd.s32 $0xFFFFFFFF  }
0xbb: {  	_ =	strace $0x90000048  }
0xbc: {  	_ =	sfence  }
0xbd: {  	s30 =	sld [smem:$0x0];
	_ =	sdelay $0x2  }
0xbe: {  	s31 =	sshll.u32 s1, $0xD;
	s1 =	sshrl.u32 s1, $0x2  }
0xbf: {  	s3 =	sand.u32 $0x4000, s31;
	s1 =	sadd.s32 s1, s30  }
0xc0: {  	s0 =	sor.u32 s3, s0;
	s1 =	sshll.u32 s1, $0x11  }
0xc1: {  	s0 =	sor.u32 s1, s0  }
0xc2: {  	s0 =	sadd.s32 $0x8F2B, s0  }
0xc3: {  	[sflag:s0] =	ssyncadd.remote.s32 $0x1  }
0xc4: {  	_ =	sfence.sel $0xFFFF  }
0xc5: {  	[dreg:$0x0] =	wrdreg $0xFFFFFFFF;
	(pc) =	sbr.abs _section_cstart, $3  }
0xc6: {  	[dreg:$0x1] =	wrdreg $0xFFFFFFFF  }
0xc7: {  	_ =	task.clear_ibuf [dreg:s10], $0x2FFFF;
	_ =	strace $0x9FFFFFFF  }
0xc8: {  	(tm) =	ssettm $0x7FFFFFFF  }
0xc9: {  	_ =	shalt  }
tec
execute0_lowered:
.L_overlay_start_1:
0x0: {  	(tag) =	ssettag $0x1  }
0x1: {  	s7 =	rddreg [dreg:$0x0]  }
0x2: {  	s1 =	rddreg [dreg:$0x1]  }
0x3: {  	s2 =	rddreg [dreg:$0x2]  }
0x4: {  	s8 =	rddreg [dreg:$0x3]  }
0x5: {  	s4 =	rddreg [dreg:$0x4]  }
0x6: {  	s0 =	rddreg [dreg:$0x5]  }
0x7: {  	s6 =	srdreg.scid;
	s3 =	stileid.u32  }
0x8: {  	s5 =	simm.s32 $0x0;
	s14 =	simm.s32 $0x0;
	s9 =	smul.u32 $0x50000, s3  }
0x9: {  	s6 =	sand.u32 $0x1, s6;
	[smem:$0x7FF] =	sst s5;
	s13 =	smul.u32 $0x14000, s3  }
0xa: {  	s31 =	sshll.u32 s3, $0x6;
	s10 =	ssub.s32 $0x2, s6;
	s11 =	smul.u32 $0x140000, s6  }
0xb: {  	s6 =	sshll.u32 s6, $0x4;
	_ =	strace $0x80000047;
	s12 =	sshrl.u32 s10, $0x1  }
0xc: {  	s6 =	sor.u32 s3, s6;
	s9 =	sshrl.u32 s9, $0x2;
	s10 =	ssub.s32 s10, s12  }
0xd: {  	s28 =	smul.u32 $0x500, s6;
	s29 =	sadd.s32 s13, s11;
	s30 =	sadd.s32 s9, s4  }
0xe: {  	s6 =	sor.u32 $0x1C01, s31;
	s11 =	simm.s32 $0x1;
	s12 =	simm.s32 $0x2800  }
0xf: {  	s13 =	sshrl.u32 s29, $0x3;
	s9 =	smax.u32 s10, $0x1;
	s10 =	sshrl.u32 s30, $0x3  }
0x10: {  	s7 =	sadd.s32 s7, s28;
	s8 =	sadd.s32 s8, s13;
	s13 =	simm.s32 $0x80  }
.LBB2_1:
0x11: {  	[spmem:s10], [sflag:s6] =	dma.local [hbm:s1], $0x2800  }
0x12: {  	_ =	swait.ge [sflag:s11], $0x2800  }
0x13: {  	[sflag:s11] =	ssyncset.done $0x0  }
0x14: {  	[sflag:s11] =	ssyncadd.s32 $0xFFFFD800  }
0x15: {  	[tilespmem:s5], [sflag:$0x1] =	stream.linear.gather [hbm4b:s7+s5], $0x2800, $0x38;
	[tilespmem:$0x1A800] =	vst v63  }
0x16: {  	_ =	swait.ge [sflag:s11], $0x2800  }
0x17: {  	[sflag:s11] =	ssyncset.done $0x0  }
0x18: {  	[sflag:s11] =	ssyncadd.s32 $0xFFFFD800  }
0x19: {  	[tilespmem:s12], [sflag:$0x1] =	stream.linear.gather [hbm4b:s2+s5], $0x4000, $0x38;
	[tilespmem:$0x1A800] =	vst v63  }
0x1a: {  	_ =	swait.ge [sflag:s11], $0x4000  }
0x1b: {  	[sflag:s11] =	ssyncset.done $0x0  }
0x1c: {  	[sflag:s11] =	ssyncadd.s32 $0xFFFFC000  }
0x1d: {  	s15 =	simm.s32 $0x0;
	[bflag:$0x0] =	sbarrier.arrive $0xFFFF  }
0x1e: {  	[spmem:s4] =	stream.indirect.scatter.add.f32 [tilespmem:s12], [sflag:$0x1], $0x80, s15, s13, $0xb8;
	[tilespmem:$0x1A800] =	vst v63  }
0x1f: {  	_ =	swait.ge [sflag:s11], $0x4000  }
0x20: {  	s15 =	simm.s32 $0x200;
	[sflag:s11] =	ssyncset.done $0x0  }
.LBB2_2:
0x21: {  	s16 =	sshra.s32 s15, $0x2;
	[sflag:s11] =	ssyncadd.s32 $0xFFFFC000;
	p0 =	sne.s32 s15, $0x9E00  }
0x22: {  	[spmem:s4] =	stream.indirect.scatter.add.f32 [tilespmem:s12], [sflag:$0x1], $0x80, s16, s13, $0xb8;
	[tilespmem:$0x1A800] =	vst v63  }
.Ltmp0:
0x23: {  	_ = 	snop;
	(pc) =	sbr.rel @p0 .LBB2_2-.Ltmp0, $4  }
0x24: {  	_ = 	snop  }
0x25: {  	s15 =	sadd.s32 $0x200, s15  }
0x26: {  	_ =	swait.ge [sflag:s11], $0x4000  }
0x27: {  	[sflag:s11] =	ssyncset.done $0x0  }
0x28: {  	s14 =	sadd.s32 $0x1, s14  }
0x29: {  	[sflag:s11] =	ssyncadd.s32 $0xFFFFC000;
	p0 =	sne.s32 s14, s9  }
.Ltmp1:
0x2a: {  	[bflag:$0x0] =	sbarrier.arrive $0xFFFF;
	(pc) =	sbr.rel @p0 .LBB2_1-.Ltmp1, $4  }
0x2b: {  	[hbm:s8], [sflag:s6] =	dma.local [spmem:s10], $0x2800  }
0x2c: {  	_ =	swait.ge [sflag:s11], $0x2800  }
0x2d: {  	[sflag:s11] =	ssyncset.done $0x0  }
0x2e: {  	[sflag:s11] =	ssyncadd.s32 $0xFFFFD800  }
0x2f: {  	_ =	sfence.sel $0x180000  }
0x30: {  	[bflag:$0x0] =	sbarrier.arrive $0xFFFF  }
0x31: {  	p0 =	sne.s32 s3, $0x0;
	_ =	strace $0x90000047  }
0x32: {  	s0 =	sadd.s32 @!p0 $0x100000, s0;
	[bflag:$0x2] =	sbarrier.arrive $0xFFFF  }
0x33: {  	[sflag:s0] =	ssyncadd.tile.s32 @!p0 $0x1;
	_ =	shalt  }
.Lfunc_end2:
_tile_overlayer_lowered:
.L_overlay_start_2:
0x34: {  	(tag) =	ssettag $0x2  }
0x35: {  	s0 =	rddreg [dreg:$0x0];
	s2 =	stileid.u32  }
0x36: {  	s1 =	rddreg [dreg:$0x1];
	p0 =	sne.s32 s2, $0x0  }
0x37: {  	s3 =	rddreg [dreg:$0x2];
	[bflag:$0x3] =	sbarrier.arrive $0xFFFF;
	s2 =	simm.s32 @!p0 $0x1C01  }
0x38: {  	[timem:s3], [sflag:s2] =	dma.local @!p0 [hbm:s0], s1  }
0x39: {  	s0 =	simm.s32 @!p0 $0x1  }
0x3a: {  	_ =	swait.ge @!p0 [sflag:s0], s1  }
0x3b: {  	s1 =	ssub.s32 @!p0 $0x0, s1;
	[sflag:s0] =	ssyncset.done @!p0 $0x0  }
0x3c: {  	[sflag:s0] =	ssyncadd.s32 @!p0 s1  }
0x3d: {  	[bflag:$0x3] =	sbarrier.arrive $0xFFFF  }
0x3e: {  	_ =	shalt  }

</sc_bundles>
